<compile_context>
chip_gen: v7x
topology: tpu7x:2x2x1
jax: 0.10.2.dev20260603
libtpu: 0.0.44.dev20260713+nightly
codegen_flags: <defaults>
</compile_context>

<pallas_src>
import functools

import jax
import jax.numpy as jnp
from jax import lax
from jax.experimental import pallas as pl
from jax.experimental.pallas import tpu as pltpu
from jax.experimental.pallas import tpu_sc as plsc

_B = 4
_S = 8192
_D = 1024
_NW = 32
_ROWS_PER_W = (_B * _S) // _NW
_R = 16
_CHUNKS = _ROWS_PER_W // _R
_PAIRS = _CHUNKS // 2
_VECS4 = _R * (_D // 16) // 4


def _add_chunk(bx, bt):
    def add_body(i, carry):
        r = i // 16
        col = (i % 16) * 64
        plsc.addupdate(bx.at[r, pl.ds(col, 16)], bt[r, pl.ds(col, 16)])
        plsc.addupdate(bx.at[r, pl.ds(col + 16, 16)], bt[r, pl.ds(col + 16, 16)])
        plsc.addupdate(bx.at[r, pl.ds(col + 32, 16)], bt[r, pl.ds(col + 32, 16)])
        plsc.addupdate(bx.at[r, pl.ds(col + 48, 16)], bt[r, pl.ds(col + 48, 16)])
        return carry

    lax.fori_loop(0, _VECS4, add_body, 0)


def _sc_add(x_hbm, table_hbm, out_hbm, bxa, bta, bxb, btb,
            sem_in_a, sem_in_b, sem_out_a, sem_out_b):
    c = lax.axis_index("c")
    s = lax.axis_index("s")
    wid = s * 2 + c
    base_row = wid * _ROWS_PER_W

    def start_in(row0, bx, bt, sem):
        s0 = lax.rem(row0, _S)
        pltpu.make_async_copy(x_hbm.at[pl.ds(row0, _R)], bx, sem).start()
        pltpu.make_async_copy(table_hbm.at[pl.ds(s0, _R)], bt, sem).start()

    def wait_in(row0, bx, bt, sem):
        s0 = lax.rem(row0, _S)
        pltpu.make_async_copy(x_hbm.at[pl.ds(row0, _R)], bx, sem).wait()
        pltpu.make_async_copy(table_hbm.at[pl.ds(s0, _R)], bt, sem).wait()

    start_in(base_row, bxa, bta, sem_in_a)

    def pair_body(g, carry):
        row_a = base_row + (2 * g) * _R
        row_b = row_a + _R

        @pl.when(g > 0)
        def _():
            pltpu.make_async_copy(
                bxb, out_hbm.at[pl.ds(row_b - 2 * _R, _R)], sem_out_b).wait()

        start_in(row_b, bxb, btb, sem_in_b)

        wait_in(row_a, bxa, bta, sem_in_a)
        _add_chunk(bxa, bta)
        pltpu.make_async_copy(bxa, out_hbm.at[pl.ds(row_a, _R)], sem_out_a).start()

        wait_in(row_b, bxb, btb, sem_in_b)
        _add_chunk(bxb, btb)
        pltpu.make_async_copy(bxb, out_hbm.at[pl.ds(row_b, _R)], sem_out_b).start()

        pltpu.make_async_copy(bxa, out_hbm.at[pl.ds(row_a, _R)], sem_out_a).wait()

        @pl.when(g < _PAIRS - 1)
        def _():
            start_in(row_a + 2 * _R, bxa, bta, sem_in_a)

        return carry

    lax.fori_loop(0, _PAIRS, pair_body, 0)

    last_row_b = base_row + _ROWS_PER_W - _R
    pltpu.make_async_copy(bxb, out_hbm.at[pl.ds(last_row_b, _R)], sem_out_b).wait()


def kernel(x, pos_table):
    batch, seq_len, d_model = x.shape
    x2 = x.reshape(batch * seq_len, d_model)
    mesh = plsc.VectorSubcoreMesh(core_axis_name="c", subcore_axis_name="s")
    k = functools.partial(
        pl.kernel,
        mesh=mesh,
        out_type=jax.ShapeDtypeStruct((batch * seq_len, d_model), jnp.float32),
        scratch_types=[
            pltpu.VMEM((_R, _D), jnp.float32),
            pltpu.VMEM((_R, _D), jnp.float32),
            pltpu.VMEM((_R, _D), jnp.float32),
            pltpu.VMEM((_R, _D), jnp.float32),
            pltpu.SemaphoreType.DMA,
            pltpu.SemaphoreType.DMA,
            pltpu.SemaphoreType.DMA,
            pltpu.SemaphoreType.DMA,
        ],
    )(_sc_add)
    out2 = k(x2, pos_table)
    return out2.reshape(batch, seq_len, d_model)

# --- scband reference (transcript-rebuilt; emitter-appended) ---
"""Pipeline reference for scband-learnable-positional-embedding-19095424598520 (READ-ONLY COPY).

The authoritative reference and input builder live on the scoring server;
editing this copy changes nothing except your own understanding.
"""

import jax, jax.numpy as jnp
import numpy as np

D_MODEL = 1024
MAX_POSITIONS = 50000
BATCH = 4
SEQ_LEN = 8192

def setup_inputs(seed: int = 0) -> dict:
    key = jax.random.key(seed)
    k1, k2 = jax.random.split(key)
    x = jax.random.normal(k1, (BATCH, SEQ_LEN, D_MODEL), dtype=jnp.float32)
    # learned positional embedding table, init N(0, 0.02) per module
    pos_table = 0.02 * jax.random.normal(k2, (MAX_POSITIONS, D_MODEL), dtype=jnp.float32)
    return {"x": x, "pos_table": pos_table}

def reference(x, pos_table):
    batch_size, seq_len, _ = x.shape
    positions = jnp.arange(seq_len)  # (S,)
    positions = jnp.broadcast_to(positions[None, :], (batch_size, seq_len))  # (B, S)
    pos_emb = jnp.take(pos_table, positions, axis=0)  # (B, S, D) gather
    out = x + pos_emb
    # dropout p=0.0 / eval mode -> identity
    return out

if __name__ == "__main__":
    import jax
    _d = setup_inputs()
    print(jax.jit(kernel)(*tuple(_d.values())))

</pallas_src>

<mosaic_0001>
#map = affine_map<(d0, d1) -> (0, 0)>
module attributes {stable_mosaic.version = 14 : i64} {
  func.func @_sc_add(%arg0: i32, %arg1: i32, %arg2: memref<32768x1024xf32, #tpu.memory_space<hbm>>, %arg3: memref<50000x1024xf32, #tpu.memory_space<hbm>>, %arg4: memref<32768x1024xf32, #tpu.memory_space<hbm>>, %arg5: memref<16x1024xf32, #tpu.memory_space<vmem>>, %arg6: memref<16x1024xf32, #tpu.memory_space<vmem>>, %arg7: memref<16x1024xf32, #tpu.memory_space<vmem>>, %arg8: memref<16x1024xf32, #tpu.memory_space<vmem>>, %arg9: memref<!tpu.dma_semaphore, #tpu.memory_space<semaphore_mem>>, %arg10: memref<!tpu.dma_semaphore, #tpu.memory_space<semaphore_mem>>, %arg11: memref<!tpu.dma_semaphore, #tpu.memory_space<semaphore_mem>>, %arg12: memref<!tpu.dma_semaphore, #tpu.memory_space<semaphore_mem>>) attributes {dimension_semantics = [#tpu.dimension_semantics<core_parallel>, #tpu.dimension_semantics<subcore_parallel>], iteration_bounds = array<i64: 2, 16>, scalar_prefetch = 0 : i64, scratch_operands = 8 : i64, tpu.core_type = #tpu.core_type<sc_vector_subcore>, window_params = [{transform_indices = #map}, {transform_indices = #map}, {transform_indices = #map}]} {
    %mul3A = arith.constant 2 : i32
    %mul3A_0 = arith.muli %arg1, %mul3A : i32
    %add3A = arith.addi %mul3A_0, %arg0 : i32
    %mul3A_1 = arith.constant 1024 : i32
    %mul3A_2 = arith.muli %add3A, %mul3A_1 : i32
    %rem3A = arith.constant 8192 : i32
    %rem3A_3 = arith.remsi %mul3A_2, %rem3A : i32
    %dma_start3A = arith.constant 0 : i32
    %dma_start3A_4 = tpu.memref_slice %arg2[%mul3A_2, %dma_start3A] : memref<32768x1024xf32, #tpu.memory_space<hbm>> -> memref<16x1024xf32, #tpu.memory_space<hbm>>
    %dma_start3A_5 = arith.constant 0 : i32
    %dma_start3A_6 = tpu.memref_slice %arg2[%mul3A_2, %dma_start3A_5] : memref<32768x1024xf32, #tpu.memory_space<hbm>> -> memref<16x1024xf32, #tpu.memory_space<hbm>>
    tpu.enqueue_dma source(%dma_start3A_6 : memref<16x1024xf32, #tpu.memory_space<hbm>>) target(%arg5 : memref<16x1024xf32, #tpu.memory_space<vmem>>) target_semaphore(%arg9 : memref<!tpu.dma_semaphore, #tpu.memory_space<semaphore_mem>>)
    %dma_start3A_7 = arith.constant 0 : i32
    %dma_start3A_8 = tpu.memref_slice %arg3[%rem3A_3, %dma_start3A_7] : memref<50000x1024xf32, #tpu.memory_space<hbm>> -> memref<16x1024xf32, #tpu.memory_space<hbm>>
    %dma_start3A_9 = arith.constant 0 : i32
    %dma_start3A_10 = tpu.memref_slice %arg3[%rem3A_3, %dma_start3A_9] : memref<50000x1024xf32, #tpu.memory_space<hbm>> -> memref<16x1024xf32, #tpu.memory_space<hbm>>
    tpu.enqueue_dma source(%dma_start3A_10 : memref<16x1024xf32, #tpu.memory_space<hbm>>) target(%arg6 : memref<16x1024xf32, #tpu.memory_space<vmem>>) target_semaphore(%arg9 : memref<!tpu.dma_semaphore, #tpu.memory_space<semaphore_mem>>)
    %scan3A = arith.constant 0 : i32
    %scan3A_11 = arith.constant 0 : i32
    %scan3A_12 = arith.constant 32 : i32
    %scan3A_13 = arith.addi %scan3A_11, %scan3A_12 : i32
    %scan3A_14 = arith.constant 1 : i32
    scf.for %scan3A_22 = %scan3A_11 to %scan3A_13 step %scan3A_14  : i32 {
      %mul3A_23 = arith.constant 2 : i32
      %mul3A_24 = arith.muli %mul3A_23, %scan3A_22 : i32
      %mul3A_25 = arith.constant 16 : i32
      %mul3A_26 = arith.muli %mul3A_24, %mul3A_25 : i32
      %add3A_27 = arith.addi %mul3A_2, %mul3A_26 : i32
      %add3A_28 = arith.constant 16 : i32
      %add3A_29 = arith.addi %add3A_27, %add3A_28 : i32
      %gt3A = arith.constant 0 : i32
      %gt3A_30 = arith.cmpi sgt, %scan3A_22, %gt3A : i32
      %convert_element_type3A = arith.extui %gt3A_30 : i1 to i32
      %cond3A = arith.constant 0 : i32
      %cond3A_31 = arith.cmpi ne, %convert_element_type3A, %cond3A : i32
      scf.if %cond3A_31 {
        %sub3A_90 = arith.constant 32 : i32
        %sub3A_91 = arith.subi %add3A_29, %sub3A_90 : i32
        %dma_wait3A_92 = arith.constant 0 : i32
        %dma_wait3A_93 = tpu.memref_slice %arg4[%sub3A_91, %dma_wait3A_92] : memref<32768x1024xf32, #tpu.memory_space<hbm>> -> memref<16x1024xf32, #tpu.memory_space<hbm>>
        %dma_wait3A_94 = arith.constant 0 : i32
        %dma_wait3A_95 = tpu.memref_slice %arg4[%sub3A_91, %dma_wait3A_94] : memref<32768x1024xf32, #tpu.memory_space<hbm>> -> memref<16x1024xf32, #tpu.memory_space<hbm>>
        tpu.wait_dma2 semaphore(%arg12 : memref<!tpu.dma_semaphore, #tpu.memory_space<semaphore_mem>>) src(%arg7 : memref<16x1024xf32, #tpu.memory_space<vmem>>) dst(%dma_wait3A_95 : memref<16x1024xf32, #tpu.memory_space<hbm>>)
      } else {
      }
      %rem3A_32 = arith.constant 8192 : i32
      %rem3A_33 = arith.remsi %add3A_29, %rem3A_32 : i32
      %dma_start3A_34 = arith.constant 0 : i32
      %dma_start3A_35 = tpu.memref_slice %arg2[%add3A_29, %dma_start3A_34] : memref<32768x1024xf32, #tpu.memory_space<hbm>> -> memref<16x1024xf32, #tpu.memory_space<hbm>>
      %dma_start3A_36 = arith.constant 0 : i32
      %dma_start3A_37 = tpu.memref_slice %arg2[%add3A_29, %dma_start3A_36] : memref<32768x1024xf32, #tpu.memory_space<hbm>> -> memref<16x1024xf32, #tpu.memory_space<hbm>>
      tpu.enqueue_dma source(%dma_start3A_37 : memref<16x1024xf32, #tpu.memory_space<hbm>>) target(%arg7 : memref<16x1024xf32, #tpu.memory_space<vmem>>) target_semaphore(%arg10 : memref<!tpu.dma_semaphore, #tpu.memory_space<semaphore_mem>>)
      %dma_start3A_38 = arith.constant 0 : i32
      %dma_start3A_39 = tpu.memref_slice %arg3[%rem3A_33, %dma_start3A_38] : memref<50000x1024xf32, #tpu.memory_space<hbm>> -> memref<16x1024xf32, #tpu.memory_space<hbm>>
      %dma_start3A_40 = arith.constant 0 : i32
      %dma_start3A_41 = tpu.memref_slice %arg3[%rem3A_33, %dma_start3A_40] : memref<50000x1024xf32, #tpu.memory_space<hbm>> -> memref<16x1024xf32, #tpu.memory_space<hbm>>
      tpu.enqueue_dma source(%dma_start3A_41 : memref<16x1024xf32, #tpu.memory_space<hbm>>) target(%arg8 : memref<16x1024xf32, #tpu.memory_space<vmem>>) target_semaphore(%arg10 : memref<!tpu.dma_semaphore, #tpu.memory_space<semaphore_mem>>)
      %rem3A_42 = arith.constant 8192 : i32
      %rem3A_43 = arith.remsi %add3A_27, %rem3A_42 : i32
      %dma_wait3A_44 = arith.constant 0 : i32
      %dma_wait3A_45 = tpu.memref_slice %arg2[%add3A_27, %dma_wait3A_44] : memref<32768x1024xf32, #tpu.memory_space<hbm>> -> memref<16x1024xf32, #tpu.memory_space<hbm>>
      %dma_wait3A_46 = arith.constant 0 : i32
      %dma_wait3A_47 = tpu.memref_slice %arg2[%add3A_27, %dma_wait3A_46] : memref<32768x1024xf32, #tpu.memory_space<hbm>> -> memref<16x1024xf32, #tpu.memory_space<hbm>>
      tpu.wait_dma2 semaphore(%arg9 : memref<!tpu.dma_semaphore, #tpu.memory_space<semaphore_mem>>) src(%dma_wait3A_47 : memref<16x1024xf32, #tpu.memory_space<hbm>>) dst(%arg5 : memref<16x1024xf32, #tpu.memory_space<vmem>>)
      %dma_wait3A_48 = arith.constant 0 : i32
      %dma_wait3A_49 = tpu.memref_slice %arg3[%rem3A_43, %dma_wait3A_48] : memref<50000x1024xf32, #tpu.memory_space<hbm>> -> memref<16x1024xf32, #tpu.memory_space<hbm>>
      %dma_wait3A_50 = arith.constant 0 : i32
      %dma_wait3A_51 = tpu.memref_slice %arg3[%rem3A_43, %dma_wait3A_50] : memref<50000x1024xf32, #tpu.memory_space<hbm>> -> memref<16x1024xf32, #tpu.memory_space<hbm>>
      tpu.wait_dma2 semaphore(%arg9 : memref<!tpu.dma_semaphore, #tpu.memory_space<semaphore_mem>>) src(%dma_wait3A_51 : memref<16x1024xf32, #tpu.memory_space<hbm>>) dst(%arg6 : memref<16x1024xf32, #tpu.memory_space<vmem>>)
      %scan3A_52 = arith.constant 0 : i32
      %scan3A_53 = arith.constant 0 : i32
      %scan3A_54 = arith.constant 256 : i32
      %scan3A_55 = arith.addi %scan3A_53, %scan3A_54 : i32
      %scan3A_56 = arith.constant 1 : i32
      scf.for %scan3A_90 = %scan3A_53 to %scan3A_55 step %scan3A_56  : i32 {
        %jit3A = arith.constant 16 : i32
        %div3A = arith.divsi %scan3A_90, %jit3A : i32
        %sign3A = arith.constant 0 : i32
        %sign3A_91 = arith.cmpi sgt, %scan3A_90, %sign3A : i32
        %sign3A_92 = arith.extui %sign3A_91 : i1 to i32
        %sign3A_93 = arith.constant 0 : i32
        %sign3A_94 = arith.cmpi slt, %scan3A_90, %sign3A_93 : i32
        %sign3A_95 = arith.extui %sign3A_94 : i1 to i32
        %sign3A_96 = arith.subi %sign3A_92, %sign3A_95 : i32
        %sign3A_97 = arith.constant 0 : i32
        %sign3A_98 = arith.cmpi sgt, %jit3A, %sign3A_97 : i32
        %sign3A_99 = arith.extui %sign3A_98 : i1 to i32
        %sign3A_100 = arith.constant 0 : i32
        %sign3A_101 = arith.cmpi slt, %jit3A, %sign3A_100 : i32
        %sign3A_102 = arith.extui %sign3A_101 : i1 to i32
        %sign3A_103 = arith.subi %sign3A_99, %sign3A_102 : i32
        %ne3A = arith.cmpi ne, %sign3A_96, %sign3A_103 : i32
        %rem3A_104 = arith.remsi %scan3A_90, %jit3A : i32
        %ne3A_105 = arith.constant 0 : i32
        %ne3A_106 = arith.cmpi ne, %rem3A_104, %ne3A_105 : i32
        %and3A = arith.andi %ne3A, %ne3A_106 : i1
        %sub3A_107 = arith.constant 1 : i32
        %sub3A_108 = arith.subi %div3A, %sub3A_107 : i32
        %select_n3A = arith.select %and3A, %sub3A_108, %div3A : i32
        %jit3A_109 = arith.constant 16 : i32
        %eq3A = arith.constant 0 : i32
        %eq3A_110 = arith.cmpi eq, %jit3A_109, %eq3A : i32
        %jit3A_111 = arith.constant 1 : i32
        %select_n3A_112 = arith.select %eq3A_110, %jit3A_111, %jit3A_109 : i32
        %rem3A_113 = arith.remsi %scan3A_90, %select_n3A_112 : i32
        %ne3A_114 = arith.constant 0 : i32
        %ne3A_115 = arith.cmpi ne, %rem3A_113, %ne3A_114 : i32
        %lt3A_116 = arith.constant 0 : i32
        %lt3A_117 = arith.cmpi slt, %rem3A_113, %lt3A_116 : i32
        %lt3A_118 = arith.constant 0 : i32
        %lt3A_119 = arith.cmpi slt, %select_n3A_112, %lt3A_118 : i32
        %ne3A_120 = arith.xori %lt3A_117, %lt3A_119 : i1
        %and3A_121 = arith.andi %ne3A_120, %ne3A_115 : i1
        %add3A_122 = arith.addi %rem3A_113, %select_n3A_112 : i32
        %select_n3A_123 = arith.select %and3A_121, %add3A_122, %rem3A_113 : i32
        %mul3A_124 = arith.constant 64 : i32
        %mul3A_125 = arith.muli %select_n3A_123, %mul3A_124 : i32
        %get3A = arith.index_cast %select_n3A : i32 to index
        %get3A_126 = arith.index_cast %mul3A_125 : i32 to index
        %get3A_127 = tpu.vector_load %arg6[%get3A, %get3A_126] {strides = array<i32>} : memref<16x1024xf32, #tpu.memory_space<vmem>>, vector<1x16xf32>,
        %get3A_128 = vector.shape_cast %get3A_127 : vector<1x16xf32> to vector<16xf32>
        %swap3A = arith.index_cast %select_n3A : i32 to index
        %swap3A_129 = arith.index_cast %mul3A_125 : i32 to index
        %swap3A_130 = tpu.vector_load %arg5[%swap3A, %swap3A_129] {strides = array<i32>} : memref<16x1024xf32, #tpu.memory_space<vmem>>, vector<1x16xf32>,
        %swap3A_131 = vector.shape_cast %swap3A_130 : vector<1x16xf32> to vector<16xf32>
        %swap3A_132 = vector.shape_cast %get3A_128 : vector<16xf32> to vector<1x16xf32>
        tpu.vector_store %arg5[%swap3A, %swap3A_129], %swap3A_132 {add = true, strides = array<i32>} : memref<16x1024xf32, #tpu.memory_space<vmem>>, vector<1x16xf32>,
        %add3A_133 = arith.constant 16 : i32
        %add3A_134 = arith.addi %mul3A_125, %add3A_133 : i32
        %add3A_135 = arith.constant 16 : i32
        %add3A_136 = arith.addi %mul3A_125, %add3A_135 : i32
        %get3A_137 = arith.index_cast %select_n3A : i32 to index
        %get3A_138 = arith.index_cast %add3A_136 : i32 to index
        %get3A_139 = tpu.vector_load %arg6[%get3A_137, %get3A_138] {strides = array<i32>} : memref<16x1024xf32, #tpu.memory_space<vmem>>, vector<1x16xf32>,
        %get3A_140 = vector.shape_cast %get3A_139 : vector<1x16xf32> to vector<16xf32>
        %swap3A_141 = arith.index_cast %select_n3A : i32 to index
        %swap3A_142 = arith.index_cast %add3A_134 : i32 to index
        %swap3A_143 = tpu.vector_load %arg5[%swap3A_141, %swap3A_142] {strides = array<i32>} : memref<16x1024xf32, #tpu.memory_space<vmem>>, vector<1x16xf32>,
        %swap3A_144 = vector.shape_cast %swap3A_143 : vector<1x16xf32> to vector<16xf32>
        %swap3A_145 = vector.shape_cast %get3A_140 : vector<16xf32> to vector<1x16xf32>
        tpu.vector_store %arg5[%swap3A_141, %swap3A_142], %swap3A_145 {add = true, strides = array<i32>} : memref<16x1024xf32, #tpu.memory_space<vmem>>, vector<1x16xf32>,
        %add3A_146 = arith.constant 32 : i32
        %add3A_147 = arith.addi %mul3A_125, %add3A_146 : i32
        %add3A_148 = arith.constant 32 : i32
        %add3A_149 = arith.addi %mul3A_125, %add3A_148 : i32
        %get3A_150 = arith.index_cast %select_n3A : i32 to index
        %get3A_151 = arith.index_cast %add3A_149 : i32 to index
        %get3A_152 = tpu.vector_load %arg6[%get3A_150, %get3A_151] {strides = array<i32>} : memref<16x1024xf32, #tpu.memory_space<vmem>>, vector<1x16xf32>,
        %get3A_153 = vector.shape_cast %get3A_152 : vector<1x16xf32> to vector<16xf32>
        %swap3A_154 = arith.index_cast %select_n3A : i32 to index
        %swap3A_155 = arith.index_cast %add3A_147 : i32 to index
        %swap3A_156 = tpu.vector_load %arg5[%swap3A_154, %swap3A_155] {strides = array<i32>} : memref<16x1024xf32, #tpu.memory_space<vmem>>, vector<1x16xf32>,
        %swap3A_157 = vector.shape_cast %swap3A_156 : vector<1x16xf32> to vector<16xf32>
        %swap3A_158 = vector.shape_cast %get3A_153 : vector<16xf32> to vector<1x16xf32>
        tpu.vector_store %arg5[%swap3A_154, %swap3A_155], %swap3A_158 {add = true, strides = array<i32>} : memref<16x1024xf32, #tpu.memory_space<vmem>>, vector<1x16xf32>,
        %add3A_159 = arith.constant 48 : i32
        %add3A_160 = arith.addi %mul3A_125, %add3A_159 : i32
        %add3A_161 = arith.constant 48 : i32
        %add3A_162 = arith.addi %mul3A_125, %add3A_161 : i32
        %get3A_163 = arith.index_cast %select_n3A : i32 to index
        %get3A_164 = arith.index_cast %add3A_162 : i32 to index
        %get3A_165 = tpu.vector_load %arg6[%get3A_163, %get3A_164] {strides = array<i32>} : memref<16x1024xf32, #tpu.memory_space<vmem>>, vector<1x16xf32>,
        %get3A_166 = vector.shape_cast %get3A_165 : vector<1x16xf32> to vector<16xf32>
        %swap3A_167 = arith.index_cast %select_n3A : i32 to index
        %swap3A_168 = arith.index_cast %add3A_160 : i32 to index
        %swap3A_169 = tpu.vector_load %arg5[%swap3A_167, %swap3A_168] {strides = array<i32>} : memref<16x1024xf32, #tpu.memory_space<vmem>>, vector<1x16xf32>,
        %swap3A_170 = vector.shape_cast %swap3A_169 : vector<1x16xf32> to vector<16xf32>
        %swap3A_171 = vector.shape_cast %get3A_166 : vector<16xf32> to vector<1x16xf32>
        tpu.vector_store %arg5[%swap3A_167, %swap3A_168], %swap3A_171 {add = true, strides = array<i32>} : memref<16x1024xf32, #tpu.memory_space<vmem>>, vector<1x16xf32>,
      }
      %scan3A_57 = arith.constant 256 : i32
      %dma_start3A_58 = arith.constant 0 : i32
      %dma_start3A_59 = tpu.memref_slice %arg4[%add3A_27, %dma_start3A_58] : memref<32768x1024xf32, #tpu.memory_space<hbm>> -> memref<16x1024xf32, #tpu.memory_space<hbm>>
      %dma_start3A_60 = arith.constant 0 : i32
      %dma_start3A_61 = tpu.memref_slice %arg4[%add3A_27, %dma_start3A_60] : memref<32768x1024xf32, #tpu.memory_space<hbm>> -> memref<16x1024xf32, #tpu.memory_space<hbm>>
      tpu.enqueue_dma source(%arg5 : memref<16x1024xf32, #tpu.memory_space<vmem>>) target(%dma_start3A_61 : memref<16x1024xf32, #tpu.memory_space<hbm>>) target_semaphore(%arg11 : memref<!tpu.dma_semaphore, #tpu.memory_space<semaphore_mem>>)
      %rem3A_62 = arith.constant 8192 : i32
      %rem3A_63 = arith.remsi %add3A_29, %rem3A_62 : i32
      %dma_wait3A_64 = arith.constant 0 : i32
      %dma_wait3A_65 = tpu.memref_slice %arg2[%add3A_29, %dma_wait3A_64] : memref<32768x1024xf32, #tpu.memory_space<hbm>> -> memref<16x1024xf32, #tpu.memory_space<hbm>>
      %dma_wait3A_66 = arith.constant 0 : i32
      %dma_wait3A_67 = tpu.memref_slice %arg2[%add3A_29, %dma_wait3A_66] : memref<32768x1024xf32, #tpu.memory_space<hbm>> -> memref<16x1024xf32, #tpu.memory_space<hbm>>
      tpu.wait_dma2 semaphore(%arg10 : memref<!tpu.dma_semaphore, #tpu.memory_space<semaphore_mem>>) src(%dma_wait3A_67 : memref<16x1024xf32, #tpu.memory_space<hbm>>) dst(%arg7 : memref<16x1024xf32, #tpu.memory_space<vmem>>)
      %dma_wait3A_68 = arith.constant 0 : i32
      %dma_wait3A_69 = tpu.memref_slice %arg3[%rem3A_63, %dma_wait3A_68] : memref<50000x1024xf32, #tpu.memory_space<hbm>> -> memref<16x1024xf32, #tpu.memory_space<hbm>>
      %dma_wait3A_70 = arith.constant 0 : i32
      %dma_wait3A_71 = tpu.memref_slice %arg3[%rem3A_63, %dma_wait3A_70] : memref<50000x1024xf32, #tpu.memory_space<hbm>> -> memref<16x1024xf32, #tpu.memory_space<hbm>>
      tpu.wait_dma2 semaphore(%arg10 : memref<!tpu.dma_semaphore, #tpu.memory_space<semaphore_mem>>) src(%dma_wait3A_71 : memref<16x1024xf32, #tpu.memory_space<hbm>>) dst(%arg8 : memref<16x1024xf32, #tpu.memory_space<vmem>>)
      %scan3A_72 = arith.constant 0 : i32
      %scan3A_73 = arith.constant 0 : i32
      %scan3A_74 = arith.constant 256 : i32
      %scan3A_75 = arith.addi %scan3A_73, %scan3A_74 : i32
      %scan3A_76 = arith.constant 1 : i32
      scf.for %scan3A_90 = %scan3A_73 to %scan3A_75 step %scan3A_76  : i32 {
        %jit3A = arith.constant 16 : i32
        %div3A = arith.divsi %scan3A_90, %jit3A : i32
        %sign3A = arith.constant 0 : i32
        %sign3A_91 = arith.cmpi sgt, %scan3A_90, %sign3A : i32
        %sign3A_92 = arith.extui %sign3A_91 : i1 to i32
        %sign3A_93 = arith.constant 0 : i32
        %sign3A_94 = arith.cmpi slt, %scan3A_90, %sign3A_93 : i32
        %sign3A_95 = arith.extui %sign3A_94 : i1 to i32
        %sign3A_96 = arith.subi %sign3A_92, %sign3A_95 : i32
        %sign3A_97 = arith.constant 0 : i32
        %sign3A_98 = arith.cmpi sgt, %jit3A, %sign3A_97 : i32
        %sign3A_99 = arith.extui %sign3A_98 : i1 to i32
        %sign3A_100 = arith.constant 0 : i32
        %sign3A_101 = arith.cmpi slt, %jit3A, %sign3A_100 : i32
        %sign3A_102 = arith.extui %sign3A_101 : i1 to i32
        %sign3A_103 = arith.subi %sign3A_99, %sign3A_102 : i32
        %ne3A = arith.cmpi ne, %sign3A_96, %sign3A_103 : i32
        %rem3A_104 = arith.remsi %scan3A_90, %jit3A : i32
        %ne3A_105 = arith.constant 0 : i32
        %ne3A_106 = arith.cmpi ne, %rem3A_104, %ne3A_105 : i32
        %and3A = arith.andi %ne3A, %ne3A_106 : i1
        %sub3A_107 = arith.constant 1 : i32
        %sub3A_108 = arith.subi %div3A, %sub3A_107 : i32
        %select_n3A = arith.select %and3A, %sub3A_108, %div3A : i32
        %jit3A_109 = arith.constant 16 : i32
        %eq3A = arith.constant 0 : i32
        %eq3A_110 = arith.cmpi eq, %jit3A_109, %eq3A : i32
        %jit3A_111 = arith.constant 1 : i32
        %select_n3A_112 = arith.select %eq3A_110, %jit3A_111, %jit3A_109 : i32
        %rem3A_113 = arith.remsi %scan3A_90, %select_n3A_112 : i32
        %ne3A_114 = arith.constant 0 : i32
        %ne3A_115 = arith.cmpi ne, %rem3A_113, %ne3A_114 : i32
        %lt3A_116 = arith.constant 0 : i32
        %lt3A_117 = arith.cmpi slt, %rem3A_113, %lt3A_116 : i32
        %lt3A_118 = arith.constant 0 : i32
        %lt3A_119 = arith.cmpi slt, %select_n3A_112, %lt3A_118 : i32
        %ne3A_120 = arith.xori %lt3A_117, %lt3A_119 : i1
        %and3A_121 = arith.andi %ne3A_120, %ne3A_115 : i1
        %add3A_122 = arith.addi %rem3A_113, %select_n3A_112 : i32
        %select_n3A_123 = arith.select %and3A_121, %add3A_122, %rem3A_113 : i32
        %mul3A_124 = arith.constant 64 : i32
        %mul3A_125 = arith.muli %select_n3A_123, %mul3A_124 : i32
        %get3A = arith.index_cast %select_n3A : i32 to index
        %get3A_126 = arith.index_cast %mul3A_125 : i32 to index
        %get3A_127 = tpu.vector_load %arg8[%get3A, %get3A_126] {strides = array<i32>} : memref<16x1024xf32, #tpu.memory_space<vmem>>, vector<1x16xf32>,
        %get3A_128 = vector.shape_cast %get3A_127 : vector<1x16xf32> to vector<16xf32>
        %swap3A = arith.index_cast %select_n3A : i32 to index
        %swap3A_129 = arith.index_cast %mul3A_125 : i32 to index
        %swap3A_130 = tpu.vector_load %arg7[%swap3A, %swap3A_129] {strides = array<i32>} : memref<16x1024xf32, #tpu.memory_space<vmem>>, vector<1x16xf32>,
        %swap3A_131 = vector.shape_cast %swap3A_130 : vector<1x16xf32> to vector<16xf32>
        %swap3A_132 = vector.shape_cast %get3A_128 : vector<16xf32> to vector<1x16xf32>
        tpu.vector_store %arg7[%swap3A, %swap3A_129], %swap3A_132 {add = true, strides = array<i32>} : memref<16x1024xf32, #tpu.memory_space<vmem>>, vector<1x16xf32>,
        %add3A_133 = arith.constant 16 : i32
        %add3A_134 = arith.addi %mul3A_125, %add3A_133 : i32
        %add3A_135 = arith.constant 16 : i32
        %add3A_136 = arith.addi %mul3A_125, %add3A_135 : i32
        %get3A_137 = arith.index_cast %select_n3A : i32 to index
        %get3A_138 = arith.index_cast %add3A_136 : i32 to index
        %get3A_139 = tpu.vector_load %arg8[%get3A_137, %get3A_138] {strides = array<i32>} : memref<16x1024xf32, #tpu.memory_space<vmem>>, vector<1x16xf32>,
        %get3A_140 = vector.shape_cast %get3A_139 : vector<1x16xf32> to vector<16xf32>
        %swap3A_141 = arith.index_cast %select_n3A : i32 to index
        %swap3A_142 = arith.index_cast %add3A_134 : i32 to index
        %swap3A_143 = tpu.vector_load %arg7[%swap3A_141, %swap3A_142] {strides = array<i32>} : memref<16x1024xf32, #tpu.memory_space<vmem>>, vector<1x16xf32>,
        %swap3A_144 = vector.shape_cast %swap3A_143 : vector<1x16xf32> to vector<16xf32>
        %swap3A_145 = vector.shape_cast %get3A_140 : vector<16xf32> to vector<1x16xf32>
        tpu.vector_store %arg7[%swap3A_141, %swap3A_142], %swap3A_145 {add = true, strides = array<i32>} : memref<16x1024xf32, #tpu.memory_space<vmem>>, vector<1x16xf32>,
        %add3A_146 = arith.constant 32 : i32
        %add3A_147 = arith.addi %mul3A_125, %add3A_146 : i32
        %add3A_148 = arith.constant 32 : i32
        %add3A_149 = arith.addi %mul3A_125, %add3A_148 : i32
        %get3A_150 = arith.index_cast %select_n3A : i32 to index
        %get3A_151 = arith.index_cast %add3A_149 : i32 to index
        %get3A_152 = tpu.vector_load %arg8[%get3A_150, %get3A_151] {strides = array<i32>} : memref<16x1024xf32, #tpu.memory_space<vmem>>, vector<1x16xf32>,
        %get3A_153 = vector.shape_cast %get3A_152 : vector<1x16xf32> to vector<16xf32>
        %swap3A_154 = arith.index_cast %select_n3A : i32 to index
        %swap3A_155 = arith.index_cast %add3A_147 : i32 to index
        %swap3A_156 = tpu.vector_load %arg7[%swap3A_154, %swap3A_155] {strides = array<i32>} : memref<16x1024xf32, #tpu.memory_space<vmem>>, vector<1x16xf32>,
        %swap3A_157 = vector.shape_cast %swap3A_156 : vector<1x16xf32> to vector<16xf32>
        %swap3A_158 = vector.shape_cast %get3A_153 : vector<16xf32> to vector<1x16xf32>
        tpu.vector_store %arg7[%swap3A_154, %swap3A_155], %swap3A_158 {add = true, strides = array<i32>} : memref<16x1024xf32, #tpu.memory_space<vmem>>, vector<1x16xf32>,
        %add3A_159 = arith.constant 48 : i32
        %add3A_160 = arith.addi %mul3A_125, %add3A_159 : i32
        %add3A_161 = arith.constant 48 : i32
        %add3A_162 = arith.addi %mul3A_125, %add3A_161 : i32
        %get3A_163 = arith.index_cast %select_n3A : i32 to index
        %get3A_164 = arith.index_cast %add3A_162 : i32 to index
        %get3A_165 = tpu.vector_load %arg8[%get3A_163, %get3A_164] {strides = array<i32>} : memref<16x1024xf32, #tpu.memory_space<vmem>>, vector<1x16xf32>,
        %get3A_166 = vector.shape_cast %get3A_165 : vector<1x16xf32> to vector<16xf32>
        %swap3A_167 = arith.index_cast %select_n3A : i32 to index
        %swap3A_168 = arith.index_cast %add3A_160 : i32 to index
        %swap3A_169 = tpu.vector_load %arg7[%swap3A_167, %swap3A_168] {strides = array<i32>} : memref<16x1024xf32, #tpu.memory_space<vmem>>, vector<1x16xf32>,
        %swap3A_170 = vector.shape_cast %swap3A_169 : vector<1x16xf32> to vector<16xf32>
        %swap3A_171 = vector.shape_cast %get3A_166 : vector<16xf32> to vector<1x16xf32>
        tpu.vector_store %arg7[%swap3A_167, %swap3A_168], %swap3A_171 {add = true, strides = array<i32>} : memref<16x1024xf32, #tpu.memory_space<vmem>>, vector<1x16xf32>,
      }
      %scan3A_77 = arith.constant 256 : i32
      %dma_start3A_78 = arith.constant 0 : i32
      %dma_start3A_79 = tpu.memref_slice %arg4[%add3A_29, %dma_start3A_78] : memref<32768x1024xf32, #tpu.memory_space<hbm>> -> memref<16x1024xf32, #tpu.memory_space<hbm>>
      %dma_start3A_80 = arith.constant 0 : i32
      %dma_start3A_81 = tpu.memref_slice %arg4[%add3A_29, %dma_start3A_80] : memref<32768x1024xf32, #tpu.memory_space<hbm>> -> memref<16x1024xf32, #tpu.memory_space<hbm>>
      tpu.enqueue_dma source(%arg7 : memref<16x1024xf32, #tpu.memory_space<vmem>>) target(%dma_start3A_81 : memref<16x1024xf32, #tpu.memory_space<hbm>>) target_semaphore(%arg12 : memref<!tpu.dma_semaphore, #tpu.memory_space<semaphore_mem>>)
      %dma_wait3A_82 = arith.constant 0 : i32
      %dma_wait3A_83 = tpu.memref_slice %arg4[%add3A_27, %dma_wait3A_82] : memref<32768x1024xf32, #tpu.memory_space<hbm>> -> memref<16x1024xf32, #tpu.memory_space<hbm>>
      %dma_wait3A_84 = arith.constant 0 : i32
      %dma_wait3A_85 = tpu.memref_slice %arg4[%add3A_27, %dma_wait3A_84] : memref<32768x1024xf32, #tpu.memory_space<hbm>> -> memref<16x1024xf32, #tpu.memory_space<hbm>>
      tpu.wait_dma2 semaphore(%arg11 : memref<!tpu.dma_semaphore, #tpu.memory_space<semaphore_mem>>) src(%arg5 : memref<16x1024xf32, #tpu.memory_space<vmem>>) dst(%dma_wait3A_85 : memref<16x1024xf32, #tpu.memory_space<hbm>>)
      %lt3A = arith.constant 31 : i32
      %lt3A_86 = arith.cmpi slt, %scan3A_22, %lt3A : i32
      %convert_element_type3A_87 = arith.extui %lt3A_86 : i1 to i32
      %cond3A_88 = arith.constant 0 : i32
      %cond3A_89 = arith.cmpi ne, %convert_element_type3A_87, %cond3A_88 : i32
      scf.if %cond3A_89 {
        %add3A_90 = arith.constant 32 : i32
        %add3A_91 = arith.addi %add3A_27, %add3A_90 : i32
        %rem3A_92 = arith.constant 8192 : i32
        %rem3A_93 = arith.remsi %add3A_91, %rem3A_92 : i32
        %dma_start3A_94 = arith.constant 0 : i32
        %dma_start3A_95 = tpu.memref_slice %arg2[%add3A_91, %dma_start3A_94] : memref<32768x1024xf32, #tpu.memory_space<hbm>> -> memref<16x1024xf32, #tpu.memory_space<hbm>>
        %dma_start3A_96 = arith.constant 0 : i32
        %dma_start3A_97 = tpu.memref_slice %arg2[%add3A_91, %dma_start3A_96] : memref<32768x1024xf32, #tpu.memory_space<hbm>> -> memref<16x1024xf32, #tpu.memory_space<hbm>>
        tpu.enqueue_dma source(%dma_start3A_97 : memref<16x1024xf32, #tpu.memory_space<hbm>>) target(%arg5 : memref<16x1024xf32, #tpu.memory_space<vmem>>) target_semaphore(%arg9 : memref<!tpu.dma_semaphore, #tpu.memory_space<semaphore_mem>>)
        %dma_start3A_98 = arith.constant 0 : i32
        %dma_start3A_99 = tpu.memref_slice %arg3[%rem3A_93, %dma_start3A_98] : memref<50000x1024xf32, #tpu.memory_space<hbm>> -> memref<16x1024xf32, #tpu.memory_space<hbm>>
        %dma_start3A_100 = arith.constant 0 : i32
        %dma_start3A_101 = tpu.memref_slice %arg3[%rem3A_93, %dma_start3A_100] : memref<50000x1024xf32, #tpu.memory_space<hbm>> -> memref<16x1024xf32, #tpu.memory_space<hbm>>
        tpu.enqueue_dma source(%dma_start3A_101 : memref<16x1024xf32, #tpu.memory_space<hbm>>) target(%arg6 : memref<16x1024xf32, #tpu.memory_space<vmem>>) target_semaphore(%arg9 : memref<!tpu.dma_semaphore, #tpu.memory_space<semaphore_mem>>)
      } else {
      }
    }
    %scan3A_15 = arith.constant 32 : i32
    %add3A_16 = arith.constant 1024 : i32
    %add3A_17 = arith.addi %mul3A_2, %add3A_16 : i32
    %sub3A = arith.constant 16 : i32
    %sub3A_18 = arith.subi %add3A_17, %sub3A : i32
    %dma_wait3A = arith.constant 0 : i32
    %dma_wait3A_19 = tpu.memref_slice %arg4[%sub3A_18, %dma_wait3A] : memref<32768x1024xf32, #tpu.memory_space<hbm>> -> memref<16x1024xf32, #tpu.memory_space<hbm>>
    %dma_wait3A_20 = arith.constant 0 : i32
    %dma_wait3A_21 = tpu.memref_slice %arg4[%sub3A_18, %dma_wait3A_20] : memref<32768x1024xf32, #tpu.memory_space<hbm>> -> memref<16x1024xf32, #tpu.memory_space<hbm>>
    tpu.wait_dma2 semaphore(%arg12 : memref<!tpu.dma_semaphore, #tpu.memory_space<semaphore_mem>>) src(%arg7 : memref<16x1024xf32, #tpu.memory_space<vmem>>) dst(%dma_wait3A_21 : memref<16x1024xf32, #tpu.memory_space<hbm>>)
    return
  }
}

</mosaic_0001>

<sc_bundles>
// kernel: kernel.3.cloned.1.call-start
scs
__scs_entry_jumppad:
0x0: {  	(pc) =	sbr.rel $0x88, $3  }
0x1: {  	(tag) =	ssettag $0x0;
	lr =	simm.s32 $0x1  }
0x2: {  	[smem:$0x3F9F] =	sst lr;
	_ =	strace $0xD0000000  }
0x3: {  	_ = 	snop  }
0x4: {  	_ = 	snop  }
0x5: {  	_ = 	snop  }
0x6: {  	_ = 	snop  }
0x7: {  	_ = 	snop  }
__scs_overlays_trampoline_lowered:
0x8: {  	[smem:$0x3FAE] =	sst s0  }
0x9: {  	[smem:$0x3FAF] =	sst s1  }
0xa: {  	[smem:$0x3FB0] =	sst s2  }
0xb: {  	[smem:$0x3FB1] =	sst s3  }
0xc: {  	[smem:$0x3FB2] =	sst s4  }
0xd: {  	[smem:$0x3FB3] =	sst s5  }
0xe: {  	[smem:$0x3FB4] =	sst s6  }
0xf: {  	[smem:$0x3FB5] =	sst s7  }
0x10: {  	[smem:$0x3FB6] =	sst s8  }
0x11: {  	[smem:$0x3FB7] =	sst s9;
	s0 =	simm.s32 @!p0 $0x0  }
0x12: {  	s1 =	sld [smem:$0x3F9D];
	s0 =	simm.s32 @p0 $0x1  }
0x13: {  	[smem:$0x3FB8] =	sst s0;
	s0 =	simm.s32 @!p1 $0x0  }
0x14: {  	s2 =	sld [smem:$0x3F9C];
	s0 =	simm.s32 @p1 $0x1  }
0x15: {  	[smem:$0x3FB9] =	sst s0;
	s0 =	simm.s32 @!p2 $0x0  }
0x16: {  	s3 =	sld [smem:$0x3FDB];
	s0 =	simm.s32 @p2 $0x1  }
0x17: {  	s4 =	simm.s32 $0x1BF5;
	[smem:$0x3FBB] =	sst s0  }
0x18: {  	s0 =	sld [smem:$0x3F9E];
	_ =	swait.ge [sflag:s4], $0x0  }
0x19: {  	s7 =	sld [smem:$0x3F9F]  }
0x1a: {  	s8 =	sadd.s32 $0xFFFFE003, lr  }
0x1b: {  	s9 =	sadd.s32 $0xFFFFFEF7, lr;
	s5 =	simm.s32 $0xFFFFFFFF;
	p2 =	slt.u32 s8, $0xFFFFF086  }
0x1c: {  	p1 =	slt.u32 s9, $0xF7A;
	s5 =	simm.s32 @!p2 $0x0  }
0x1d: {  	s5 =	simm.s32 @p1 $0x1;
	p0 =	seq.s32 s7, s2  }
0x1e: {  	s7 =	smul.u32 @!p0 $0xF7A, s2;
	p2 =	seq.s32 @!p0 s5, $0x0  }
0x1f: {  	s9 =	smul.u32 $0xF7A, s1;
	s8 =	simm.s32 @!p0 $0x1BF5;
	p2 =	por !p2, p0  }
0x20: {  	[sflag:s8] =	ssyncset.s32 @!p0 $0xFFFFF086;
	s6 =	sadd.s32 @!p0 s3, s7;
	s7 =	simm.s32 @!p0 $0x108  }
0x21: {  	s3 =	sadd.s32 s3, s9;
	s6 =	sadd.s32 @!p0 $0x88, s6;
	s7 =	simm.s32 @p2 $0x1082  }
0x22: {  	[simem:s7], [sflag:s8] =	dma.local @!p0 [hbm:s6], $0xF7A  }
0x23: {  	s9 =	sor.u32 $0xD0000000, s2;
	s6 =	simm.s32 $0x108;
	_ =	swait.ge @!p0 [sflag:s8], $0x0  }
0x24: {  	s3 =	sadd.s32 $0x88, s3;
	s6 =	simm.s32 @!p1 $0x1082;
	[sflag:s4] =	ssyncset.s32 $0xFFFFF086  }
0x25: {  	[simem:s6], [sflag:s4] =	dma.local [hbm:s3], $0xF7A  }
0x26: {  	[smem:$0x3F9F] =	sst s1;
	(tag) =	ssettag s2;
	_ =	strace s9  }
0x27: {  	s1 =	sld [smem:$0x3FAF]  }
0x28: {  	s2 =	sld [smem:$0x3FB0]  }
0x29: {  	s4 =	sld [smem:$0x3FB2]  }
0x2a: {  	p0 =	seq.s32 s5, $0x0;
	s5 =	sld [smem:$0x3FB3]  }
0x2b: {  	s6 =	sld [smem:$0x3FB4]  }
0x2c: {  	s7 =	sld [smem:$0x3FB5]  }
0x2d: {  	s3 =	simm.s32 $0x108;
	s8 =	sld [smem:$0x3FB6]  }
0x2e: {  	s3 =	simm.s32 @!p0 $0x1082;
	s9 =	sld [smem:$0x3FB7]  }
0x2f: {  	lr =	sadd.s32 s0, s3;
	s0 =	sld [smem:$0x3FAE]  }
0x30: {  	s3 =	sld [smem:$0x3FB1]  }
0x31: {  	[smem:$0x3FBA] =	sst s10  }
0x32: {  	s10 =	sld [smem:$0x3FB8];
	_ =	sdelay $0x3  }
0x33: {  	p0 =	seq.s32 s10, $0x1;
	s10 =	sld [smem:$0x3FBA];
	_ =	sdelay $0x3  }
0x34: {  	[smem:$0x3FBA] =	sst s10  }
0x35: {  	s10 =	sld [smem:$0x3FB9];
	_ =	sdelay $0x3  }
0x36: {  	p1 =	seq.s32 s10, $0x1;
	s10 =	sld [smem:$0x3FBA];
	_ =	sdelay $0x3  }
0x37: {  	[smem:$0x3FBA] =	sst s10  }
0x38: {  	s10 =	sld [smem:$0x3FBB]  }
0x39: {  	_ = 	snop;
	(pc) =	sbr.ind lr, $3  }
0x3a: {  	_ = 	snop  }
0x3b: {  	_ = 	snop  }
0x3c: {  	p2 =	seq.s32 s10, $0x1;
	s10 =	sld [smem:$0x3FBA]  }
0x3d: {  	_ =	shalt  }
0x3e: {  	_ =	shalt  }
0x3f: {  	_ =	shalt  }
0x40: {  	_ =	shalt  }
0x41: {  	_ =	shalt  }
0x42: {  	_ =	shalt  }
0x43: {  	_ =	shalt  }
0x44: {  	_ =	shalt  }
0x45: {  	_ =	shalt  }
0x46: {  	_ =	shalt  }
0x47: {  	_ =	shalt  }
0x48: {  	_ =	shalt  }
0x49: {  	_ =	shalt  }
0x4a: {  	_ =	shalt  }
0x4b: {  	_ =	shalt  }
0x4c: {  	_ =	shalt  }
0x4d: {  	_ =	shalt  }
0x4e: {  	_ =	shalt  }
0x4f: {  	_ =	shalt  }
0x50: {  	_ =	shalt  }
0x51: {  	_ =	shalt  }
0x52: {  	_ =	shalt  }
0x53: {  	_ =	shalt  }
0x54: {  	_ =	shalt  }
0x55: {  	_ =	shalt  }
0x56: {  	_ =	shalt  }
0x57: {  	_ =	shalt  }
0x58: {  	_ =	shalt  }
0x59: {  	_ =	shalt  }
0x5a: {  	_ =	shalt  }
0x5b: {  	_ =	shalt  }
0x5c: {  	_ =	shalt  }
0x5d: {  	_ =	shalt  }
0x5e: {  	_ =	shalt  }
0x5f: {  	_ =	shalt  }
0x60: {  	_ =	shalt  }
0x61: {  	_ =	shalt  }
0x62: {  	_ =	shalt  }
0x63: {  	_ =	shalt  }
0x64: {  	_ =	shalt  }
0x65: {  	_ =	shalt  }
0x66: {  	_ =	shalt  }
0x67: {  	_ =	shalt  }
0x68: {  	_ =	shalt  }
0x69: {  	_ =	shalt  }
0x6a: {  	_ =	shalt  }
0x6b: {  	_ =	shalt  }
0x6c: {  	_ =	shalt  }
0x6d: {  	_ =	shalt  }
0x6e: {  	_ =	shalt  }
0x6f: {  	_ =	shalt  }
0x70: {  	_ =	shalt  }
0x71: {  	_ =	shalt  }
0x72: {  	_ =	shalt  }
0x73: {  	_ =	shalt  }
0x74: {  	_ =	shalt  }
0x75: {  	_ =	shalt  }
0x76: {  	_ =	shalt  }
0x77: {  	_ =	shalt  }
0x78: {  	_ =	shalt  }
0x79: {  	_ =	shalt  }
0x7a: {  	_ =	shalt  }
0x7b: {  	_ =	shalt  }
0x7c: {  	_ =	shalt  }
0x7d: {  	_ =	shalt  }
0x7e: {  	_ =	shalt  }
0x7f: {  	_ =	shalt  }
0x80: {  	_ =	shalt  }
0x81: {  	_ =	shalt  }
0x82: {  	_ =	shalt  }
0x83: {  	_ =	shalt  }
0x84: {  	_ =	shalt  }
0x85: {  	_ =	shalt  }
0x86: {  	_ =	shalt  }
0x87: {  	_ =	shalt  }
.Lfunc_end0:
.L_simem_size_0:
called_computation_lowered:
.L_overlay_start_0:
0x88: {  	s2 =	sld [smem:$0x3FD9]  }
0x89: {  	s3 =	sld [smem:$0x3FFE];
	_ =	sdelay $0x1  }
0x8a: {  	s1 =	srdreg.scid  }
0x8b: {  	s0 =	sand.u32 $0x1, s1  }
0x8c: {  	s18 =	sshll.u32 s0, $0xA;
	s2 =	sadd.s32 s3, s2  }
0x8d: {  	s2 =	sadd.s32 s2, s18  }
0x8e: {  	[smem:$0x3FC6] =	sst s2  }
0x8f: {  	_ = 	snop  }
0x90: {  	s2 =	sld [smem:$0x3FC9]  }
0x91: {  	s19 =	sld [smem:$0x3FC8]  }
0x92: {  	s4 =	sld [smem:$0x3FD0];
	(tm) =	ssettm $0x1  }
0x93: {  	s5 =	sld [smem:$0x3FFB];
	_ =	sdelay $0x3  }
0x94: {  	_ =	strace s5  }
0x95: {  	s5 =	sld [smem:$0x3FFC];
	_ =	sdelay $0x3  }
0x96: {  	_ =	strace s5  }
0x97: {  	s5 =	sld [smem:$0x3FFD];
	_ =	sdelay $0x3  }
0x98: {  	_ =	strace s5  }
0x99: {  	_ =	strace $0x8FFFFFFF  }
0x9a: {  	s20 =	sld [smem:$0x3FDB];
	_ =	sdelay $0x1  }
0x9b: {  	s6 =	simm.s32 $_scs_section_size  }
0x9c: {  	s7 =	simm.s32 $_size__tile_overlayer_lowered;
	s8 =	simm.s32 $_tile_overlayer_lowered  }
0x9d: {  	s23 =	simm.s32 $0x1BFF;
	s22 =	sshll.u32 s8, $0x1;
	s5 =	sadd.s32 s6, s20  }
0x9e: {  	s9 =	simm.s32 $0x0;
	s21 =	sshll.u32 s7, $0x1;
	s7 =	sadd.s32 s22, s5  }
0x9f: {  	[timem:s9], [sflag:s23] =	dma.local [hbm:s7], s21  }
0xa0: {  	_ =	swait.ge [sflag:s23], s21  }
0xa1: {  	s6 =	ssub.s32 $0x0, s21;
	[sflag:s23] =	ssyncset.done $0x0  }
0xa2: {  	[sflag:s23] =	ssyncadd.s32 s6;
	_ =	sdelay $0x1  }
0xa3: {  	s24 =	simm.s32 $0x1B8B  }
0xa4: {  	_ =	swait.ge [sflag:s24], $0x1  }
0xa5: {  	[sflag:s24] =	ssyncset.done $0x0  }
0xa6: {  	s25 =	simm.s32 $0x1B8E;
	[sflag:s24] =	ssyncadd.s32 $0xFFFFFFFF  }
0xa7: {  	s26 =	simm.s32 $execute0_lowered;
	[smem:$0x3FD2] =	sst s25  }
0xa8: {  	s6 =	sshll.u32 s26, $0x1;
	_ =	strace $0x80000046;
	[dreg:$0x1] =	wrdreg $0xFFFFFFFF  }
0xa9: {  	s28 =	simm.s32 $_size_execute0_lowered;
	s5 =	sadd.s32 s5, s6;
	[dreg:$0x0] =	wrdreg $0x0  }
0xaa: {  	s6 =	sshll.u32 s28, $0x1;
	[dreg:$0x2] =	wrdreg s5  }
0xab: {  	[dreg:$0x3] =	wrdreg s6  }
0xac: {  	[dreg:$0x4] =	wrdreg $0xC0  }
0xad: {  	_ =	task [dreg:s9], $0x5FFFF  }
0xae: {  	[dreg:$0x1] =	wrdreg $0xFFFFFFFF  }
0xaf: {  	[dreg:$0x0] =	wrdreg $0x60  }
0xb0: {  	[dreg:$0x2] =	wrdreg s2  }
0xb1: {  	[dreg:$0x3] =	wrdreg s19  }
0xb2: {  	[dreg:$0x4] =	wrdreg s4  }
0xb3: {  	[dreg:$0x5] =	wrdreg $0x9  }
0xb4: {  	_ =	task.clear_ibuf [dreg:s9], $0x6FFFF;
	_ =	strace $0x90000046  }
0xb5: {  	s29 =	simm.s32 $0x9;
	_ =	strace $0x80000048  }
0xb6: {  	_ =	swait.ge [sflag:s29], $0x1  }
0xb7: {  	[sflag:s29] =	ssyncadd.s32 $0xFFFFFFFF  }
0xb8: {  	_ =	strace $0x90000048  }
0xb9: {  	_ =	sfence  }
0xba: {  	s30 =	sld [smem:$0x0];
	_ =	sdelay $0x2  }
0xbb: {  	s31 =	sshll.u32 s1, $0xD;
	s1 =	sshrl.u32 s1, $0x2  }
0xbc: {  	s3 =	sand.u32 $0x4000, s31;
	s1 =	sadd.s32 s1, s30  }
0xbd: {  	s0 =	sor.u32 s3, s0;
	s1 =	sshll.u32 s1, $0x11  }
0xbe: {  	s0 =	sor.u32 s1, s0  }
0xbf: {  	s0 =	sadd.s32 $0x8F2B, s0  }
0xc0: {  	[sflag:s0] =	ssyncadd.remote.s32 $0x1  }
0xc1: {  	_ =	sfence.sel $0xFFFF  }
0xc2: {  	[dreg:$0x0] =	wrdreg $0xFFFFFFFF;
	(pc) =	sbr.abs _section_cstart, $3  }
0xc3: {  	[dreg:$0x1] =	wrdreg $0xFFFFFFFF  }
0xc4: {  	_ =	task.clear_ibuf [dreg:s9], $0x2FFFF;
	_ =	strace $0x9FFFFFFF  }
0xc5: {  	(tm) =	ssettm $0x7FFFFFFF  }
tec
execute0_lowered:
.L_overlay_start_1:
0x0: {  	(tag) =	ssettag $0x1  }
0x1: {  	s1 =	rddreg [dreg:$0x0]  }
0x2: {  	s3 =	rddreg [dreg:$0x1]  }
0x3: {  	s4 =	rddreg [dreg:$0x2]  }
0x4: {  	s5 =	srdreg.scid;
	s0 =	rddreg [dreg:$0x3]  }
0x5: {  	s2 =	stileid.u32;
	s10 =	simm.s32 $0x4000;
	s11 =	simm.s32 $0x8000  }
0x6: {  	s12 =	simm.s32 $0xC000;
	s13 =	simm.s32 $0x1;
	s14 =	simm.s32 $0x2  }
0x7: {  	s15 =	simm.s32 $0x3;
	s16 =	simm.s32 $0x4;
	s17 =	simm.s32 $0x0  }
.Ltmp0:
0x8: {  	s6 =	sand.u32 $0x1, s5;
	s5 =	simm.s32 $0x0;
	(pc) =	sbr.rel .LBB2_1-.Ltmp0, $4  }
0x9: {  	s7 =	sshll.u32 s2, $0x12;
	s8 =	sshll.u32 s6, $0x11;
	s9 =	ssub.s32 $0x2, s6  }
0xa: {  	[smem:$0x7FF] =	sst s5;
	s6 =	sor.u32 s8, s7;
	s31 =	sshrl.u32 s9, $0x1  }
0xb: {  	_ =	strace $0x80000047;
	s8 =	sand.u32 $0xE0000, s6;
	s9 =	ssub.s32 s9, s31  }
0xc: {  	s7 =	sadd.s32 s1, s6;
	s8 =	sadd.s32 s3, s8;
	s9 =	smax.u32 s9, $0x1  }
.LBB2_8:
0xd: {  	s17 =	sadd.s32 $0x1, s17  }
0xe: {  	p0 =	sne.s32 s17, s9  }
.Ltmp1:
0xf: {  	_ = 	snop;
	(pc) =	sbr.rel @!p0 .LBB2_9-.Ltmp1, $4  }
0x10: {  	_ = 	snop  }
0x11: {  	_ =	swait.ge [sflag:s16], $0x4000  }
0x12: {  	[sflag:s16] =	ssyncset.done $0x0  }
0x13: {  	[sflag:s16] =	ssyncadd.s32 $0xFFFFC000  }
.LBB2_1:
0x14: {  	[tilespmem:s5], [sflag:$0x1] =	stream.linear.gather [hbm4b:s7+s5], $0x4000, $0x38;
	[tilespmem:$0x10000] =	vst v63  }
0x15: {  	s18 =	simm.s32 $0x0  }
0x16: {  	[tilespmem:s10], [sflag:$0x1] =	stream.linear.gather [hbm4b:s8+s5], $0x4000, $0x38;
	[tilespmem:$0x10000] =	vst v63  }
.LBB2_2:
0x17: {  	p0 =	seq.s32 s18, $0x0  }
0x18: {  	s19 =	sshll.u32 s18, $0xC;
	s21 =	simm.s32 @!p0 $0x4  }
0x19: {  	s19 =	sadd.s32 s6, s19;
	_ =	swait.ge @!p0 [sflag:s21], $0x4000  }
0x1a: {  	s22 =	simm.s32 $0x0;
	s20 =	sor.u32 $0x800, s19;
	[sflag:s21] =	ssyncset.done @!p0 $0x0  }
0x1b: {  	s25 =	sadd.s32 s1, s20;
	s26 =	sand.u32 $0xFF800, s20;
	[sflag:s21] =	ssyncadd.s32 @!p0 $0xFFFFC000  }
0x1c: {  	[tilespmem:s11], [sflag:$0x2] =	stream.linear.gather [hbm4b:s25+s22], $0x4000, $0x38;
	[tilespmem:$0x10000] =	vst v63  }
0x1d: {  	s21 =	sadd.s32 s3, s26  }
0x1e: {  	[tilespmem:s12], [sflag:$0x2] =	stream.linear.gather [hbm4b:s21+s22], $0x4000, $0x38;
	[tilespmem:$0x10000] =	vst v63  }
0x1f: {  	_ =	swait.ge [sflag:s13], $0x4000  }
0x20: {  	s23 =	simm.s32 $0x0;
	s24 =	simm.s32 $0x0;
	[sflag:s13] =	ssyncset.done $0x0  }
0x21: {  	s28 =	sand.u32 $0x40, s22;
	s22 =	sand.u32 $0x1C00, s22;
	[sflag:s13] =	ssyncadd.s32 $0xFFFFC000  }
0x22: {  	s23 =	sand.u32 $0x2000, s23;
	s21 =	sor.u32 s28, s22;
	_ =	swait.ge [sflag:s13], $0x4000  }
0x23: {  	s29 =	sand.u32 $0x380, s24;
	s21 =	sor.u32 s23, s21;
	[sflag:s13] =	ssyncset.done $0x0  }
0x24: {  	s26 =	sor.u32 s29, s21;
	[sflag:s13] =	ssyncadd.s32 $0xFFFFC000  }
0x25: {  	v0 =	vld [tilespmem:s26+$0x4000]  }
0x26: {  	v1 =	vld [tilespmem:s26+$0x4010];
	_ =	sdelay $0x3  }
0x27: {  	s21 =	sor.u32 $0x10, s26;
	[tilespmem:s26+$0x0] =	vst.add.f32.msk $0xffff, v0  }
0x28: {  	[tilespmem:s21+$0x0] =	vst.add.f32.msk $0xffff, v1  }
0x29: {  	v0 =	vld [tilespmem:s26+$0x4020];
	_ =	sdelay $0x3  }
0x2a: {  	s30 =	sor.u32 $0x20, s26  }
0x2b: {  	[tilespmem:s30+$0x0] =	vst.add.f32.msk $0xffff, v0  }
0x2c: {  	s31 =	simm.s32 $0x8;
	s22 =	simm.s32 $0x40;
	s23 =	simm.s32 $0x200;
	v0 =	vld [tilespmem:s26+$0x4030]  }
0x2d: {  	s28 =	simm.s32 $0x40;
	s25 =	sand.u32 $0x40, s22;
	s29 =	sand.u32 $0x1C00, s23  }
0x2e: {  	s24 =	sand.u32 $0x380, s31;
	s28 =	sand.u32 $0x2000, s28;
	s25 =	sor.u32 s25, s29  }
0x2f: {  	s25 =	sor.u32 s28, s25;
	s21 =	simm.s32 $0x2;
	s26 =	sor.u32 $0x30, s26  }
.LBB2_3:
0x30: {  	p0 =	sne.s32 s21, $0xFF  }
0x31: {  	s28 =	sor.u32 s24, s25;
	[tilespmem:s26+$0x0] =	vst.add.f32.msk $0xffff, v0;
	s24 =	smov.u32 s21;
	s21 =	sadd.s32 $0x1, s21  }
0x32: {  	v0 =	vld [tilespmem:s28+$0x4000]  }
0x33: {  	v1 =	vld [tilespmem:s28+$0x4010];
	_ =	sdelay $0x3  }
0x34: {  	s25 =	sor.u32 $0x10, s28;
	[tilespmem:s28+$0x0] =	vst.add.f32.msk $0xffff, v0  }
0x35: {  	[tilespmem:s25+$0x0] =	vst.add.f32.msk $0xffff, v1  }
0x36: {  	v0 =	vld [tilespmem:s28+$0x4020];
	_ =	sdelay $0x3  }
0x37: {  	s25 =	sor.u32 $0x20, s28  }
0x38: {  	[tilespmem:s25+$0x0] =	vst.add.f32.msk $0xffff, v0  }
.Ltmp2:
0x39: {  	v0 =	vld [tilespmem:s28+$0x4030];
	(pc) =	sbr.rel @p0 .LBB2_3-.Ltmp2, $4  }
0x3a: {  	s22 =	sadd.s32 $0x40, s22;
	s23 =	sadd.s32 $0x200, s23  }
0x3b: {  	s26 =	sshll.u32 s24, $0x6;
	s29 =	sand.u32 $0x1C00, s23;
	s25 =	sand.u32 $0x40, s22  }
0x3c: {  	s24 =	sshll.u32 s24, $0x3;
	s26 =	sand.u32 $0x2000, s26;
	s25 =	sor.u32 s25, s29  }
0x3d: {  	s24 =	sand.u32 $0x380, s24;
	s25 =	sor.u32 s26, s25;
	s26 =	sor.u32 $0x30, s28  }
0x3e: {  	s21 =	sor.u32 s24, s25;
	[tilespmem:s26+$0x0] =	vst.add.f32.msk $0xffff, v0  }
0x3f: {  	v0 =	vld [tilespmem:s21+$0x4000]  }
0x40: {  	v1 =	vld [tilespmem:s21+$0x4010];
	_ =	sdelay $0x3  }
0x41: {  	s22 =	sor.u32 $0x10, s21;
	[tilespmem:s21+$0x0] =	vst.add.f32.msk $0xffff, v0  }
0x42: {  	[tilespmem:s22+$0x0] =	vst.add.f32.msk $0xffff, v1  }
0x43: {  	v0 =	vld [tilespmem:s21+$0x4020];
	_ =	sdelay $0x3  }
0x44: {  	s26 =	sor.u32 $0x20, s21  }
0x45: {  	[tilespmem:s26+$0x0] =	vst.add.f32.msk $0xffff, v0  }
0x46: {  	v0 =	vld [tilespmem:s21+$0x4030];
	_ =	sdelay $0x3  }
0x47: {  	s21 =	sor.u32 $0x30, s21  }
0x48: {  	s30 =	sadd.s32 s4, s19;
	s31 =	simm.s32 $0x0;
	[tilespmem:s21+$0x0] =	vst.add.f32.msk $0xffff, v0  }
0x49: {  	[hbm4b:s30+s31] =	stream.linear.scatter [tilespmem:s31], [sflag:$0x3], $0x4000, $0x38;
	[tilespmem:$0x10000] =	vst v63  }
0x4a: {  	_ =	swait.ge [sflag:s14], $0x4000  }
0x4b: {  	s24 =	simm.s32 $0x0;
	s25 =	simm.s32 $0x0;
	[sflag:s14] =	ssyncset.done $0x0  }
0x4c: {  	s23 =	sand.u32 $0x40, s31;
	s22 =	sand.u32 $0x1C00, s31;
	[sflag:s14] =	ssyncadd.s32 $0xFFFFC000  }
0x4d: {  	s22 =	sor.u32 s23, s22;
	s21 =	sand.u32 $0x2000, s24;
	_ =	swait.ge [sflag:s14], $0x4000  }
0x4e: {  	s26 =	sand.u32 $0x380, s25;
	s21 =	sor.u32 s21, s22;
	[sflag:s14] =	ssyncset.done $0x0  }
0x4f: {  	s21 =	sor.u32 s26, s21;
	[sflag:s14] =	ssyncadd.s32 $0xFFFFC000  }
0x50: {  	v0 =	vld [tilespmem:s21+$0xC000];
	_ =	sdelay $0x3  }
0x51: {  	s30 =	sor.u32 $0x8000, s21  }
0x52: {  	[tilespmem:s30+$0x0] =	vst.add.f32.msk $0xffff, v0  }
0x53: {  	v0 =	vld [tilespmem:s21+$0xC010];
	_ =	sdelay $0x3  }
0x54: {  	s31 =	sor.u32 $0x8010, s21  }
0x55: {  	[tilespmem:s31+$0x0] =	vst.add.f32.msk $0xffff, v0  }
0x56: {  	v0 =	vld [tilespmem:s21+$0xC020];
	_ =	sdelay $0x3  }
0x57: {  	s23 =	sor.u32 $0x8020, s21  }
0x58: {  	[tilespmem:s23+$0x0] =	vst.add.f32.msk $0xffff, v0  }
0x59: {  	s25 =	simm.s32 $0x8;
	v0 =	vld [tilespmem:s21+$0xC030]  }
0x5a: {  	s24 =	simm.s32 $0x2;
	s22 =	simm.s32 $0x40;
	s23 =	simm.s32 $0x200  }
0x5b: {  	s26 =	simm.s32 $0x40;
	s28 =	sand.u32 $0x40, s22;
	s29 =	sand.u32 $0x1C00, s23  }
.LBB2_5:
0x5c: {  	p0 =	sne.s32 s24, $0xFF;
	s26 =	sand.u32 $0x2000, s26;
	s28 =	sor.u32 s28, s29  }
0x5d: {  	s25 =	sand.u32 $0x380, s25;
	s26 =	sor.u32 s26, s28;
	s28 =	sor.u32 $0x8030, s21  }
0x5e: {  	s21 =	sor.u32 s25, s26;
	[tilespmem:s28+$0x0] =	vst.add.f32.msk $0xffff, v0  }
0x5f: {  	v0 =	vld [tilespmem:s21+$0xC000];
	_ =	sdelay $0x3  }
0x60: {  	s25 =	sor.u32 $0x8000, s21  }
0x61: {  	[tilespmem:s25+$0x0] =	vst.add.f32.msk $0xffff, v0  }
0x62: {  	v0 =	vld [tilespmem:s21+$0xC010];
	_ =	sdelay $0x3  }
0x63: {  	s25 =	sor.u32 $0x8010, s21  }
0x64: {  	[tilespmem:s25+$0x0] =	vst.add.f32.msk $0xffff, v0  }
0x65: {  	v0 =	vld [tilespmem:s21+$0xC020];
	_ =	sdelay $0x3  }
.Ltmp3:
0x66: {  	s25 =	sor.u32 $0x8020, s21;
	(pc) =	sbr.rel @p0 .LBB2_5-.Ltmp3, $4  }
0x67: {  	[tilespmem:s25+$0x0] =	vst.add.f32.msk $0xffff, v0  }
0x68: {  	s22 =	sadd.s32 $0x40, s22;
	v0 =	vld [tilespmem:s21+$0xC030]  }
0x69: {  	s23 =	sadd.s32 $0x200, s23;
	s26 =	sshll.u32 s24, $0x6;
	s25 =	sshll.u32 s24, $0x3  }
0x6a: {  	s29 =	sand.u32 $0x1C00, s23;
	s28 =	sand.u32 $0x40, s22;
	s24 =	sadd.s32 $0x1, s24  }
0x6b: {  	s22 =	sand.u32 $0x2000, s26;
	s23 =	sor.u32 s28, s29  }
0x6c: {  	s24 =	sand.u32 $0x380, s25;
	s21 =	sor.u32 $0x8030, s21;
	s22 =	sor.u32 s22, s23  }
0x6d: {  	s22 =	sor.u32 s24, s22;
	[tilespmem:s21+$0x0] =	vst.add.f32.msk $0xffff, v0  }
0x6e: {  	v0 =	vld [tilespmem:s22+$0xC000];
	_ =	sdelay $0x3  }
0x6f: {  	s28 =	sor.u32 $0x8000, s22  }
0x70: {  	[tilespmem:s28+$0x0] =	vst.add.f32.msk $0xffff, v0  }
0x71: {  	v0 =	vld [tilespmem:s22+$0xC010];
	_ =	sdelay $0x3  }
0x72: {  	s29 =	sor.u32 $0x8010, s22  }
0x73: {  	[tilespmem:s29+$0x0] =	vst.add.f32.msk $0xffff, v0  }
0x74: {  	v0 =	vld [tilespmem:s22+$0xC020];
	_ =	sdelay $0x3  }
0x75: {  	s30 =	sor.u32 $0x8020, s22  }
0x76: {  	[tilespmem:s30+$0x0] =	vst.add.f32.msk $0xffff, v0  }
0x77: {  	v0 =	vld [tilespmem:s22+$0xC030];
	_ =	sdelay $0x3  }
0x78: {  	p0 =	seq.s32 s18, $0x1F;
	s31 =	sor.u32 $0x8030, s22  }
.Ltmp4:
0x79: {  	s20 =	sadd.s32 s4, s20;
	[tilespmem:s31+$0x0] =	vst.add.f32.msk $0xffff, v0;
	(pc) =	sbr.rel @p0 .LBB2_8-.Ltmp4, $4  }
0x7a: {  	[hbm4b:s20+s5] =	stream.linear.scatter [tilespmem:s11], [sflag:$0x4], $0x4000, $0x38;
	[tilespmem:$0x10000] =	vst v63  }
0x7b: {  	_ =	swait.ge [sflag:s15], $0x4000  }
0x7c: {  	[sflag:s15] =	ssyncset.done $0x0  }
0x7d: {  	[sflag:s15] =	ssyncadd.s32 $0xFFFFC000  }
.Ltmp5:
0x7e: {  	s19 =	sadd.s32 $0x1000, s19;
	(pc) =	sbr.rel .LBB2_2-.Ltmp5, $4  }
0x7f: {  	s20 =	sadd.s32 s1, s19;
	s19 =	sand.u32 $0xFF000, s19  }
0x80: {  	[tilespmem:s5], [sflag:$0x1] =	stream.linear.gather [hbm4b:s20+s5], $0x4000, $0x38;
	[tilespmem:$0x10000] =	vst v63  }
0x81: {  	s18 =	sadd.s32 $0x1, s18;
	s19 =	sadd.s32 s3, s19  }
0x82: {  	[tilespmem:s10], [sflag:$0x1] =	stream.linear.gather [hbm4b:s19+s5], $0x4000, $0x38;
	[tilespmem:$0x10000] =	vst v63  }
.LBB2_9:
0x83: {  	_ =	sfence.sel $0x180000  }
0x84: {  	[bflag:$0x0] =	sbarrier.arrive $0xFFFF  }
0x85: {  	p0 =	sne.s32 s2, $0x0;
	_ =	strace $0x90000047  }
0x86: {  	s0 =	sadd.s32 @!p0 $0x100000, s0;
	[bflag:$0x2] =	sbarrier.arrive $0xFFFF  }
0x87: {  	[sflag:s0] =	ssyncadd.tile.s32 @!p0 $0x1;
	_ =	shalt  }
.Lfunc_end2:
_tile_overlayer_lowered:
.L_overlay_start_2:
0x88: {  	(tag) =	ssettag $0x2  }
0x89: {  	s0 =	rddreg [dreg:$0x0];
	s2 =	stileid.u32  }
0x8a: {  	s1 =	rddreg [dreg:$0x1];
	p0 =	sne.s32 s2, $0x0  }
0x8b: {  	s3 =	rddreg [dreg:$0x2];
	[bflag:$0x3] =	sbarrier.arrive $0xFFFF;
	s2 =	simm.s32 @!p0 $0x1C05  }
0x8c: {  	[timem:s3], [sflag:s2] =	dma.local @!p0 [hbm:s0], s1  }
0x8d: {  	s0 =	simm.s32 @!p0 $0x5  }
0x8e: {  	_ =	swait.ge @!p0 [sflag:s0], s1  }
0x8f: {  	s1 =	ssub.s32 @!p0 $0x0, s1;
	[sflag:s0] =	ssyncset.done @!p0 $0x0  }
0x90: {  	[sflag:s0] =	ssyncadd.s32 @!p0 s1  }
0x91: {  	[bflag:$0x3] =	sbarrier.arrive $0xFFFF  }
0x92: {  	_ =	shalt  }

</sc_bundles>
